<compile_context>
chip_gen: v7x
topology: tpu7x:2x2x1
jax: 0.10.2.dev20260603
libtpu: 0.0.44.dev20260713+nightly
codegen_flags: <defaults>
</compile_context>

<pallas_src>
import functools

import jax
import jax.numpy as jnp
from jax import lax
from jax.experimental import pallas as pl
from jax.experimental.pallas import tpu as pltpu
from jax.experimental.pallas import tpu_sc as plsc

_D = 128
_B = 16384

_info = plsc.get_sparse_core_info()
_NC = _info.num_cores
_NS = _info.num_subcores
_NW = _NC * _NS
_BPW = _B // _NW
_CH = 128
_NCH = _BPW // _CH


def _make_gather():
    mesh = plsc.VectorSubcoreMesh(core_axis_name="c", subcore_axis_name="s")

    @functools.partial(
        pl.kernel,
        mesh=mesh,
        out_type=jax.ShapeDtypeStruct((_B, _D), jnp.float32),
        scratch_types=[
            pltpu.VMEM((_BPW,), jnp.int32),
            pltpu.VMEM((_BPW, _D), jnp.float32),
            pltpu.SemaphoreType.DMA((_NCH,)),
            pltpu.SemaphoreType.DMA((_NCH,)),
            pltpu.SemaphoreType.DMA((_NCH,)),
        ],
    )
    def gather_kernel(idx_hbm, table_hbm, out_hbm, idx_v, rows_v, isem, gsem, osem):
        wid = lax.axis_index("s") * _NC + lax.axis_index("c")
        base = wid * _BPW
        idxcopies = [
            pltpu.make_async_copy(
                idx_hbm.at[pl.ds(base + j * _CH, _CH)],
                idx_v.at[pl.ds(j * _CH, _CH)],
                isem.at[j],
            )
            for j in range(_NCH)
        ]
        gathers = [
            pltpu.make_async_copy(
                table_hbm.at[idx_v.at[pl.ds(j * _CH, _CH)]],
                rows_v.at[pl.ds(j * _CH, _CH)],
                gsem.at[j],
            )
            for j in range(_NCH)
        ]
        outs = [
            pltpu.make_async_copy(
                rows_v.at[pl.ds(j * _CH, _CH)],
                out_hbm.at[pl.ds(base + j * _CH, _CH)],
                osem.at[j],
            )
            for j in range(_NCH)
        ]
        for c in idxcopies:
            c.start()
        for j in range(_NCH):
            idxcopies[j].wait()
            gathers[j].start()
        for j in range(_NCH):
            gathers[j].wait()
            outs[j].start()
        for c in outs:
            c.wait()

    return gather_kernel


_gather = _make_gather()


@jax.jit
def kernel(timesteps, table):
    return _gather(jnp.reshape(timesteps, (_B,)), table)

# --- scband reference (transcript-rebuilt; emitter-appended) ---
"""Pipeline reference for scband-sinusoidal-positional-embedding-76527727280432 (READ-ONLY COPY).

The authoritative reference and input builder live on the scoring server;
editing this copy changes nothing except your own understanding.
"""

import jax, jax.numpy as jnp
import numpy as np

L = 100000
D = 128


def _make_table():
    # pos: [D//2, L], each row is arange(L)
    pos = jnp.tile(jnp.arange(L, dtype=jnp.float32)[None, :], (D // 2, 1))
    _emb = jnp.power(10000.0, 2.0 * jnp.arange(D // 2, dtype=jnp.float32) / D).reshape(-1, 1)
    _emb = jnp.repeat(_emb, repeats=L, axis=1)
    emb = pos * _emb
    emb_sin = jnp.sin(emb)
    emb_cos = jnp.cos(emb)
    _table = jnp.concatenate([emb_cos, emb_sin], axis=0)  # [D, L]
    table = jnp.transpose(_table)  # [L, D]
    return table


def setup_inputs(seed: int = 0) -> dict:
    key = jax.random.key(seed)
    timesteps = jax.random.randint(key, (16384,), 0, L, dtype=jnp.int32)
    table = _make_table()
    return {"timesteps": timesteps, "table": table}


def reference(timesteps, table):
    ts = jnp.reshape(timesteps, (-1,))
    time_emb = jnp.take(table, ts, axis=0)
    return time_emb

if __name__ == "__main__":
    import jax
    _d = setup_inputs()
    print(jax.jit(kernel)(*tuple(_d.values())))

</pallas_src>

<mosaic_0001>
#map = affine_map<(d0, d1) -> (0)>
#map1 = affine_map<(d0, d1) -> (0, 0)>
module attributes {stable_mosaic.version = 14 : i64} {
  func.func @gather_kernel(%arg0: i32, %arg1: i32, %arg2: memref<16384xi32, #tpu.memory_space<hbm>>, %arg3: memref<100000x128xf32, #tpu.memory_space<hbm>>, %arg4: memref<16384x128xf32, #tpu.memory_space<hbm>>, %arg5: memref<512xi32, #tpu.memory_space<vmem>>, %arg6: memref<512x128xf32, #tpu.memory_space<vmem>>, %arg7: memref<4x!tpu.dma_semaphore, #tpu.memory_space<semaphore_mem>>, %arg8: memref<4x!tpu.dma_semaphore, #tpu.memory_space<semaphore_mem>>, %arg9: memref<4x!tpu.dma_semaphore, #tpu.memory_space<semaphore_mem>>) attributes {dimension_semantics = [#tpu.dimension_semantics<core_parallel>, #tpu.dimension_semantics<subcore_parallel>], iteration_bounds = array<i64: 2, 16>, scalar_prefetch = 0 : i64, scratch_operands = 5 : i64, tpu.core_type = #tpu.core_type<sc_vector_subcore>, window_params = [{transform_indices = #map}, {transform_indices = #map1}, {transform_indices = #map1}]} {
    %mul3A = arith.constant 2 : i32
    %mul3A_0 = arith.muli %arg1, %mul3A : i32
    %add3A = arith.addi %mul3A_0, %arg0 : i32
    %mul3A_1 = arith.constant 512 : i32
    %mul3A_2 = arith.muli %add3A, %mul3A_1 : i32
    %add3A_3 = arith.constant 0 : i32
    %add3A_4 = arith.addi %mul3A_2, %add3A_3 : i32
    %add3A_5 = arith.constant 128 : i32
    %add3A_6 = arith.addi %mul3A_2, %add3A_5 : i32
    %add3A_7 = arith.constant 256 : i32
    %add3A_8 = arith.addi %mul3A_2, %add3A_7 : i32
    %add3A_9 = arith.constant 384 : i32
    %add3A_10 = arith.addi %mul3A_2, %add3A_9 : i32
    %add3A_11 = arith.constant 0 : i32
    %add3A_12 = arith.addi %mul3A_2, %add3A_11 : i32
    %add3A_13 = arith.constant 128 : i32
    %add3A_14 = arith.addi %mul3A_2, %add3A_13 : i32
    %add3A_15 = arith.constant 256 : i32
    %add3A_16 = arith.addi %mul3A_2, %add3A_15 : i32
    %add3A_17 = arith.constant 384 : i32
    %add3A_18 = arith.addi %mul3A_2, %add3A_17 : i32
    %dma_start3A = arith.constant 0 : i32
    %dma_start3A_19 = arith.constant 0 : i32
    %dma_start3A_20 = tpu.memref_slice %arg5[%dma_start3A_19] : memref<512xi32, #tpu.memory_space<vmem>> -> memref<128xi32, #tpu.memory_space<vmem>>
    %dma_start3A_21 = tpu.memref_slice %arg2[%add3A_4] : memref<16384xi32, #tpu.memory_space<hbm>> -> memref<128xi32, #tpu.memory_space<hbm>>
    %dma_start3A_22 = tpu.memref_slice %arg7[%dma_start3A] : memref<4x!tpu.dma_semaphore, #tpu.memory_space<semaphore_mem>> -> memref<1x!tpu.dma_semaphore, #tpu.memory_space<semaphore_mem>>
    %dma_start3A_23 = tpu.memref_squeeze %dma_start3A_22 : memref<1x!tpu.dma_semaphore, #tpu.memory_space<semaphore_mem>> -> memref<!tpu.dma_semaphore, #tpu.memory_space<semaphore_mem>>
    %dma_start3A_24 = arith.constant 0 : i32
    %dma_start3A_25 = tpu.memref_slice %arg5[%dma_start3A_24] : memref<512xi32, #tpu.memory_space<vmem>> -> memref<128xi32, #tpu.memory_space<vmem>>
    %dma_start3A_26 = tpu.memref_slice %arg2[%add3A_4] : memref<16384xi32, #tpu.memory_space<hbm>> -> memref<128xi32, #tpu.memory_space<hbm>>
    tpu.enqueue_dma source(%dma_start3A_26 : memref<128xi32, #tpu.memory_space<hbm>>) target(%dma_start3A_25 : memref<128xi32, #tpu.memory_space<vmem>>) target_semaphore(%dma_start3A_23 : memref<!tpu.dma_semaphore, #tpu.memory_space<semaphore_mem>>)
    %dma_start3A_27 = arith.constant 1 : i32
    %dma_start3A_28 = arith.constant 128 : i32
    %dma_start3A_29 = tpu.memref_slice %arg5[%dma_start3A_28] : memref<512xi32, #tpu.memory_space<vmem>> -> memref<128xi32, #tpu.memory_space<vmem>>
    %dma_start3A_30 = tpu.memref_slice %arg2[%add3A_6] : memref<16384xi32, #tpu.memory_space<hbm>> -> memref<128xi32, #tpu.memory_space<hbm>>
    %dma_start3A_31 = tpu.memref_slice %arg7[%dma_start3A_27] : memref<4x!tpu.dma_semaphore, #tpu.memory_space<semaphore_mem>> -> memref<1x!tpu.dma_semaphore, #tpu.memory_space<semaphore_mem>>
    %dma_start3A_32 = tpu.memref_squeeze %dma_start3A_31 : memref<1x!tpu.dma_semaphore, #tpu.memory_space<semaphore_mem>> -> memref<!tpu.dma_semaphore, #tpu.memory_space<semaphore_mem>>
    %dma_start3A_33 = arith.constant 128 : i32
    %dma_start3A_34 = tpu.memref_slice %arg5[%dma_start3A_33] : memref<512xi32, #tpu.memory_space<vmem>> -> memref<128xi32, #tpu.memory_space<vmem>>
    %dma_start3A_35 = tpu.memref_slice %arg2[%add3A_6] : memref<16384xi32, #tpu.memory_space<hbm>> -> memref<128xi32, #tpu.memory_space<hbm>>
    tpu.enqueue_dma source(%dma_start3A_35 : memref<128xi32, #tpu.memory_space<hbm>>) target(%dma_start3A_34 : memref<128xi32, #tpu.memory_space<vmem>>) target_semaphore(%dma_start3A_32 : memref<!tpu.dma_semaphore, #tpu.memory_space<semaphore_mem>>)
    %dma_start3A_36 = arith.constant 2 : i32
    %dma_start3A_37 = arith.constant 256 : i32
    %dma_start3A_38 = tpu.memref_slice %arg5[%dma_start3A_37] : memref<512xi32, #tpu.memory_space<vmem>> -> memref<128xi32, #tpu.memory_space<vmem>>
    %dma_start3A_39 = tpu.memref_slice %arg2[%add3A_8] : memref<16384xi32, #tpu.memory_space<hbm>> -> memref<128xi32, #tpu.memory_space<hbm>>
    %dma_start3A_40 = tpu.memref_slice %arg7[%dma_start3A_36] : memref<4x!tpu.dma_semaphore, #tpu.memory_space<semaphore_mem>> -> memref<1x!tpu.dma_semaphore, #tpu.memory_space<semaphore_mem>>
    %dma_start3A_41 = tpu.memref_squeeze %dma_start3A_40 : memref<1x!tpu.dma_semaphore, #tpu.memory_space<semaphore_mem>> -> memref<!tpu.dma_semaphore, #tpu.memory_space<semaphore_mem>>
    %dma_start3A_42 = arith.constant 256 : i32
    %dma_start3A_43 = tpu.memref_slice %arg5[%dma_start3A_42] : memref<512xi32, #tpu.memory_space<vmem>> -> memref<128xi32, #tpu.memory_space<vmem>>
    %dma_start3A_44 = tpu.memref_slice %arg2[%add3A_8] : memref<16384xi32, #tpu.memory_space<hbm>> -> memref<128xi32, #tpu.memory_space<hbm>>
    tpu.enqueue_dma source(%dma_start3A_44 : memref<128xi32, #tpu.memory_space<hbm>>) target(%dma_start3A_43 : memref<128xi32, #tpu.memory_space<vmem>>) target_semaphore(%dma_start3A_41 : memref<!tpu.dma_semaphore, #tpu.memory_space<semaphore_mem>>)
    %dma_start3A_45 = arith.constant 3 : i32
    %dma_start3A_46 = arith.constant 384 : i32
    %dma_start3A_47 = tpu.memref_slice %arg5[%dma_start3A_46] : memref<512xi32, #tpu.memory_space<vmem>> -> memref<128xi32, #tpu.memory_space<vmem>>
    %dma_start3A_48 = tpu.memref_slice %arg2[%add3A_10] : memref<16384xi32, #tpu.memory_space<hbm>> -> memref<128xi32, #tpu.memory_space<hbm>>
    %dma_start3A_49 = tpu.memref_slice %arg7[%dma_start3A_45] : memref<4x!tpu.dma_semaphore, #tpu.memory_space<semaphore_mem>> -> memref<1x!tpu.dma_semaphore, #tpu.memory_space<semaphore_mem>>
    %dma_start3A_50 = tpu.memref_squeeze %dma_start3A_49 : memref<1x!tpu.dma_semaphore, #tpu.memory_space<semaphore_mem>> -> memref<!tpu.dma_semaphore, #tpu.memory_space<semaphore_mem>>
    %dma_start3A_51 = arith.constant 384 : i32
    %dma_start3A_52 = tpu.memref_slice %arg5[%dma_start3A_51] : memref<512xi32, #tpu.memory_space<vmem>> -> memref<128xi32, #tpu.memory_space<vmem>>
    %dma_start3A_53 = tpu.memref_slice %arg2[%add3A_10] : memref<16384xi32, #tpu.memory_space<hbm>> -> memref<128xi32, #tpu.memory_space<hbm>>
    tpu.enqueue_dma source(%dma_start3A_53 : memref<128xi32, #tpu.memory_space<hbm>>) target(%dma_start3A_52 : memref<128xi32, #tpu.memory_space<vmem>>) target_semaphore(%dma_start3A_50 : memref<!tpu.dma_semaphore, #tpu.memory_space<semaphore_mem>>)
    %dma_wait3A = arith.constant 0 : i32
    %dma_wait3A_54 = arith.constant 0 : i32
    %dma_wait3A_55 = tpu.memref_slice %arg5[%dma_wait3A_54] : memref<512xi32, #tpu.memory_space<vmem>> -> memref<128xi32, #tpu.memory_space<vmem>>
    %dma_wait3A_56 = tpu.memref_slice %arg2[%add3A_4] : memref<16384xi32, #tpu.memory_space<hbm>> -> memref<128xi32, #tpu.memory_space<hbm>>
    %dma_wait3A_57 = tpu.memref_slice %arg7[%dma_wait3A] : memref<4x!tpu.dma_semaphore, #tpu.memory_space<semaphore_mem>> -> memref<1x!tpu.dma_semaphore, #tpu.memory_space<semaphore_mem>>
    %dma_wait3A_58 = tpu.memref_squeeze %dma_wait3A_57 : memref<1x!tpu.dma_semaphore, #tpu.memory_space<semaphore_mem>> -> memref<!tpu.dma_semaphore, #tpu.memory_space<semaphore_mem>>
    %dma_wait3A_59 = arith.constant 0 : i32
    %dma_wait3A_60 = tpu.memref_slice %arg5[%dma_wait3A_59] : memref<512xi32, #tpu.memory_space<vmem>> -> memref<128xi32, #tpu.memory_space<vmem>>
    %dma_wait3A_61 = tpu.memref_slice %arg2[%add3A_4] : memref<16384xi32, #tpu.memory_space<hbm>> -> memref<128xi32, #tpu.memory_space<hbm>>
    tpu.wait_dma2 semaphore(%dma_wait3A_58 : memref<!tpu.dma_semaphore, #tpu.memory_space<semaphore_mem>>) src(%dma_wait3A_61 : memref<128xi32, #tpu.memory_space<hbm>>) dst(%dma_wait3A_60 : memref<128xi32, #tpu.memory_space<vmem>>)
    %dma_start3A_62 = arith.constant 0 : i32
    %dma_start3A_63 = arith.constant 0 : i32
    %dma_start3A_64 = arith.constant 0 : i32
    %dma_start3A_65 = tpu.memref_slice %arg6[%dma_start3A_63, %dma_start3A_64] : memref<512x128xf32, #tpu.memory_space<vmem>> -> memref<128x128xf32, #tpu.memory_space<vmem>>
    %dma_start3A_66 = arith.constant 0 : i32
    %dma_start3A_67 = tpu.memref_slice %arg5[%dma_start3A_66] : memref<512xi32, #tpu.memory_space<vmem>> -> memref<128xi32, #tpu.memory_space<vmem>>
    %dma_start3A_68 = arith.constant 0 : i32
    %dma_start3A_69 = arith.constant 0 : i32
    %dma_start3A_70 = tpu.memref_slice %arg3[%dma_start3A_68, %dma_start3A_69] : memref<100000x128xf32, #tpu.memory_space<hbm>> -> memref<100000x128xf32, #tpu.memory_space<hbm>>
    %dma_start3A_71 = tpu.memref_slice %arg8[%dma_start3A_62] : memref<4x!tpu.dma_semaphore, #tpu.memory_space<semaphore_mem>> -> memref<1x!tpu.dma_semaphore, #tpu.memory_space<semaphore_mem>>
    %dma_start3A_72 = tpu.memref_squeeze %dma_start3A_71 : memref<1x!tpu.dma_semaphore, #tpu.memory_space<semaphore_mem>> -> memref<!tpu.dma_semaphore, #tpu.memory_space<semaphore_mem>>
    tpu.enqueue_indirect_dma source(%dma_start3A_70 : memref<100000x128xf32, #tpu.memory_space<hbm>>) target(%dma_start3A_65 : memref<128x128xf32, #tpu.memory_space<vmem>>) offsets(%dma_start3A_67 : memref<128xi32, #tpu.memory_space<vmem>>) semaphore(%dma_start3A_72 : memref<!tpu.dma_semaphore, #tpu.memory_space<semaphore_mem>>)
    %dma_wait3A_73 = arith.constant 1 : i32
    %dma_wait3A_74 = arith.constant 128 : i32
    %dma_wait3A_75 = tpu.memref_slice %arg5[%dma_wait3A_74] : memref<512xi32, #tpu.memory_space<vmem>> -> memref<128xi32, #tpu.memory_space<vmem>>
    %dma_wait3A_76 = tpu.memref_slice %arg2[%add3A_6] : memref<16384xi32, #tpu.memory_space<hbm>> -> memref<128xi32, #tpu.memory_space<hbm>>
    %dma_wait3A_77 = tpu.memref_slice %arg7[%dma_wait3A_73] : memref<4x!tpu.dma_semaphore, #tpu.memory_space<semaphore_mem>> -> memref<1x!tpu.dma_semaphore, #tpu.memory_space<semaphore_mem>>
    %dma_wait3A_78 = tpu.memref_squeeze %dma_wait3A_77 : memref<1x!tpu.dma_semaphore, #tpu.memory_space<semaphore_mem>> -> memref<!tpu.dma_semaphore, #tpu.memory_space<semaphore_mem>>
    %dma_wait3A_79 = arith.constant 128 : i32
    %dma_wait3A_80 = tpu.memref_slice %arg5[%dma_wait3A_79] : memref<512xi32, #tpu.memory_space<vmem>> -> memref<128xi32, #tpu.memory_space<vmem>>
    %dma_wait3A_81 = tpu.memref_slice %arg2[%add3A_6] : memref<16384xi32, #tpu.memory_space<hbm>> -> memref<128xi32, #tpu.memory_space<hbm>>
    tpu.wait_dma2 semaphore(%dma_wait3A_78 : memref<!tpu.dma_semaphore, #tpu.memory_space<semaphore_mem>>) src(%dma_wait3A_81 : memref<128xi32, #tpu.memory_space<hbm>>) dst(%dma_wait3A_80 : memref<128xi32, #tpu.memory_space<vmem>>)
    %dma_start3A_82 = arith.constant 1 : i32
    %dma_start3A_83 = arith.constant 128 : i32
    %dma_start3A_84 = arith.constant 0 : i32
    %dma_start3A_85 = tpu.memref_slice %arg6[%dma_start3A_83, %dma_start3A_84] : memref<512x128xf32, #tpu.memory_space<vmem>> -> memref<128x128xf32, #tpu.memory_space<vmem>>
    %dma_start3A_86 = arith.constant 128 : i32
    %dma_start3A_87 = tpu.memref_slice %arg5[%dma_start3A_86] : memref<512xi32, #tpu.memory_space<vmem>> -> memref<128xi32, #tpu.memory_space<vmem>>
    %dma_start3A_88 = arith.constant 0 : i32
    %dma_start3A_89 = arith.constant 0 : i32
    %dma_start3A_90 = tpu.memref_slice %arg3[%dma_start3A_88, %dma_start3A_89] : memref<100000x128xf32, #tpu.memory_space<hbm>> -> memref<100000x128xf32, #tpu.memory_space<hbm>>
    %dma_start3A_91 = tpu.memref_slice %arg8[%dma_start3A_82] : memref<4x!tpu.dma_semaphore, #tpu.memory_space<semaphore_mem>> -> memref<1x!tpu.dma_semaphore, #tpu.memory_space<semaphore_mem>>
    %dma_start3A_92 = tpu.memref_squeeze %dma_start3A_91 : memref<1x!tpu.dma_semaphore, #tpu.memory_space<semaphore_mem>> -> memref<!tpu.dma_semaphore, #tpu.memory_space<semaphore_mem>>
    tpu.enqueue_indirect_dma source(%dma_start3A_90 : memref<100000x128xf32, #tpu.memory_space<hbm>>) target(%dma_start3A_85 : memref<128x128xf32, #tpu.memory_space<vmem>>) offsets(%dma_start3A_87 : memref<128xi32, #tpu.memory_space<vmem>>) semaphore(%dma_start3A_92 : memref<!tpu.dma_semaphore, #tpu.memory_space<semaphore_mem>>)
    %dma_wait3A_93 = arith.constant 2 : i32
    %dma_wait3A_94 = arith.constant 256 : i32
    %dma_wait3A_95 = tpu.memref_slice %arg5[%dma_wait3A_94] : memref<512xi32, #tpu.memory_space<vmem>> -> memref<128xi32, #tpu.memory_space<vmem>>
    %dma_wait3A_96 = tpu.memref_slice %arg2[%add3A_8] : memref<16384xi32, #tpu.memory_space<hbm>> -> memref<128xi32, #tpu.memory_space<hbm>>
    %dma_wait3A_97 = tpu.memref_slice %arg7[%dma_wait3A_93] : memref<4x!tpu.dma_semaphore, #tpu.memory_space<semaphore_mem>> -> memref<1x!tpu.dma_semaphore, #tpu.memory_space<semaphore_mem>>
    %dma_wait3A_98 = tpu.memref_squeeze %dma_wait3A_97 : memref<1x!tpu.dma_semaphore, #tpu.memory_space<semaphore_mem>> -> memref<!tpu.dma_semaphore, #tpu.memory_space<semaphore_mem>>
    %dma_wait3A_99 = arith.constant 256 : i32
    %dma_wait3A_100 = tpu.memref_slice %arg5[%dma_wait3A_99] : memref<512xi32, #tpu.memory_space<vmem>> -> memref<128xi32, #tpu.memory_space<vmem>>
    %dma_wait3A_101 = tpu.memref_slice %arg2[%add3A_8] : memref<16384xi32, #tpu.memory_space<hbm>> -> memref<128xi32, #tpu.memory_space<hbm>>
    tpu.wait_dma2 semaphore(%dma_wait3A_98 : memref<!tpu.dma_semaphore, #tpu.memory_space<semaphore_mem>>) src(%dma_wait3A_101 : memref<128xi32, #tpu.memory_space<hbm>>) dst(%dma_wait3A_100 : memref<128xi32, #tpu.memory_space<vmem>>)
    %dma_start3A_102 = arith.constant 2 : i32
    %dma_start3A_103 = arith.constant 256 : i32
    %dma_start3A_104 = arith.constant 0 : i32
    %dma_start3A_105 = tpu.memref_slice %arg6[%dma_start3A_103, %dma_start3A_104] : memref<512x128xf32, #tpu.memory_space<vmem>> -> memref<128x128xf32, #tpu.memory_space<vmem>>
    %dma_start3A_106 = arith.constant 256 : i32
    %dma_start3A_107 = tpu.memref_slice %arg5[%dma_start3A_106] : memref<512xi32, #tpu.memory_space<vmem>> -> memref<128xi32, #tpu.memory_space<vmem>>
    %dma_start3A_108 = arith.constant 0 : i32
    %dma_start3A_109 = arith.constant 0 : i32
    %dma_start3A_110 = tpu.memref_slice %arg3[%dma_start3A_108, %dma_start3A_109] : memref<100000x128xf32, #tpu.memory_space<hbm>> -> memref<100000x128xf32, #tpu.memory_space<hbm>>
    %dma_start3A_111 = tpu.memref_slice %arg8[%dma_start3A_102] : memref<4x!tpu.dma_semaphore, #tpu.memory_space<semaphore_mem>> -> memref<1x!tpu.dma_semaphore, #tpu.memory_space<semaphore_mem>>
    %dma_start3A_112 = tpu.memref_squeeze %dma_start3A_111 : memref<1x!tpu.dma_semaphore, #tpu.memory_space<semaphore_mem>> -> memref<!tpu.dma_semaphore, #tpu.memory_space<semaphore_mem>>
    tpu.enqueue_indirect_dma source(%dma_start3A_110 : memref<100000x128xf32, #tpu.memory_space<hbm>>) target(%dma_start3A_105 : memref<128x128xf32, #tpu.memory_space<vmem>>) offsets(%dma_start3A_107 : memref<128xi32, #tpu.memory_space<vmem>>) semaphore(%dma_start3A_112 : memref<!tpu.dma_semaphore, #tpu.memory_space<semaphore_mem>>)
    %dma_wait3A_113 = arith.constant 3 : i32
    %dma_wait3A_114 = arith.constant 384 : i32
    %dma_wait3A_115 = tpu.memref_slice %arg5[%dma_wait3A_114] : memref<512xi32, #tpu.memory_space<vmem>> -> memref<128xi32, #tpu.memory_space<vmem>>
    %dma_wait3A_116 = tpu.memref_slice %arg2[%add3A_10] : memref<16384xi32, #tpu.memory_space<hbm>> -> memref<128xi32, #tpu.memory_space<hbm>>
    %dma_wait3A_117 = tpu.memref_slice %arg7[%dma_wait3A_113] : memref<4x!tpu.dma_semaphore, #tpu.memory_space<semaphore_mem>> -> memref<1x!tpu.dma_semaphore, #tpu.memory_space<semaphore_mem>>
    %dma_wait3A_118 = tpu.memref_squeeze %dma_wait3A_117 : memref<1x!tpu.dma_semaphore, #tpu.memory_space<semaphore_mem>> -> memref<!tpu.dma_semaphore, #tpu.memory_space<semaphore_mem>>
    %dma_wait3A_119 = arith.constant 384 : i32
    %dma_wait3A_120 = tpu.memref_slice %arg5[%dma_wait3A_119] : memref<512xi32, #tpu.memory_space<vmem>> -> memref<128xi32, #tpu.memory_space<vmem>>
    %dma_wait3A_121 = tpu.memref_slice %arg2[%add3A_10] : memref<16384xi32, #tpu.memory_space<hbm>> -> memref<128xi32, #tpu.memory_space<hbm>>
    tpu.wait_dma2 semaphore(%dma_wait3A_118 : memref<!tpu.dma_semaphore, #tpu.memory_space<semaphore_mem>>) src(%dma_wait3A_121 : memref<128xi32, #tpu.memory_space<hbm>>) dst(%dma_wait3A_120 : memref<128xi32, #tpu.memory_space<vmem>>)
    %dma_start3A_122 = arith.constant 3 : i32
    %dma_start3A_123 = arith.constant 384 : i32
    %dma_start3A_124 = arith.constant 0 : i32
    %dma_start3A_125 = tpu.memref_slice %arg6[%dma_start3A_123, %dma_start3A_124] : memref<512x128xf32, #tpu.memory_space<vmem>> -> memref<128x128xf32, #tpu.memory_space<vmem>>
    %dma_start3A_126 = arith.constant 384 : i32
    %dma_start3A_127 = tpu.memref_slice %arg5[%dma_start3A_126] : memref<512xi32, #tpu.memory_space<vmem>> -> memref<128xi32, #tpu.memory_space<vmem>>
    %dma_start3A_128 = arith.constant 0 : i32
    %dma_start3A_129 = arith.constant 0 : i32
    %dma_start3A_130 = tpu.memref_slice %arg3[%dma_start3A_128, %dma_start3A_129] : memref<100000x128xf32, #tpu.memory_space<hbm>> -> memref<100000x128xf32, #tpu.memory_space<hbm>>
    %dma_start3A_131 = tpu.memref_slice %arg8[%dma_start3A_122] : memref<4x!tpu.dma_semaphore, #tpu.memory_space<semaphore_mem>> -> memref<1x!tpu.dma_semaphore, #tpu.memory_space<semaphore_mem>>
    %dma_start3A_132 = tpu.memref_squeeze %dma_start3A_131 : memref<1x!tpu.dma_semaphore, #tpu.memory_space<semaphore_mem>> -> memref<!tpu.dma_semaphore, #tpu.memory_space<semaphore_mem>>
    tpu.enqueue_indirect_dma source(%dma_start3A_130 : memref<100000x128xf32, #tpu.memory_space<hbm>>) target(%dma_start3A_125 : memref<128x128xf32, #tpu.memory_space<vmem>>) offsets(%dma_start3A_127 : memref<128xi32, #tpu.memory_space<vmem>>) semaphore(%dma_start3A_132 : memref<!tpu.dma_semaphore, #tpu.memory_space<semaphore_mem>>)
    %dma_wait3A_133 = arith.constant 0 : i32
    %dma_wait3A_134 = arith.constant 0 : i32
    %dma_wait3A_135 = arith.constant 0 : i32
    %dma_wait3A_136 = tpu.memref_slice %arg6[%dma_wait3A_134, %dma_wait3A_135] : memref<512x128xf32, #tpu.memory_space<vmem>> -> memref<128x128xf32, #tpu.memory_space<vmem>>
    %dma_wait3A_137 = arith.constant 0 : i32
    %dma_wait3A_138 = tpu.memref_slice %arg5[%dma_wait3A_137] : memref<512xi32, #tpu.memory_space<vmem>> -> memref<128xi32, #tpu.memory_space<vmem>>
    %dma_wait3A_139 = arith.constant 0 : i32
    %dma_wait3A_140 = arith.constant 0 : i32
    %dma_wait3A_141 = tpu.memref_slice %arg3[%dma_wait3A_139, %dma_wait3A_140] : memref<100000x128xf32, #tpu.memory_space<hbm>> -> memref<100000x128xf32, #tpu.memory_space<hbm>>
    %dma_wait3A_142 = tpu.memref_slice %arg8[%dma_wait3A_133] : memref<4x!tpu.dma_semaphore, #tpu.memory_space<semaphore_mem>> -> memref<1x!tpu.dma_semaphore, #tpu.memory_space<semaphore_mem>>
    %dma_wait3A_143 = tpu.memref_squeeze %dma_wait3A_142 : memref<1x!tpu.dma_semaphore, #tpu.memory_space<semaphore_mem>> -> memref<!tpu.dma_semaphore, #tpu.memory_space<semaphore_mem>>
    tpu.wait_indirect_dma semaphore(%dma_wait3A_143 : memref<!tpu.dma_semaphore, #tpu.memory_space<semaphore_mem>>) src(%dma_wait3A_141 : memref<100000x128xf32, #tpu.memory_space<hbm>>) dst(%dma_wait3A_136 : memref<128x128xf32, #tpu.memory_space<vmem>>)
    %dma_start3A_144 = arith.constant 0 : i32
    %dma_start3A_145 = arith.constant 0 : i32
    %dma_start3A_146 = arith.constant 0 : i32
    %dma_start3A_147 = tpu.memref_slice %arg6[%dma_start3A_145, %dma_start3A_146] : memref<512x128xf32, #tpu.memory_space<vmem>> -> memref<128x128xf32, #tpu.memory_space<vmem>>
    %dma_start3A_148 = arith.constant 0 : i32
    %dma_start3A_149 = tpu.memref_slice %arg4[%add3A_12, %dma_start3A_148] : memref<16384x128xf32, #tpu.memory_space<hbm>> -> memref<128x128xf32, #tpu.memory_space<hbm>>
    %dma_start3A_150 = tpu.memref_slice %arg9[%dma_start3A_144] : memref<4x!tpu.dma_semaphore, #tpu.memory_space<semaphore_mem>> -> memref<1x!tpu.dma_semaphore, #tpu.memory_space<semaphore_mem>>
    %dma_start3A_151 = tpu.memref_squeeze %dma_start3A_150 : memref<1x!tpu.dma_semaphore, #tpu.memory_space<semaphore_mem>> -> memref<!tpu.dma_semaphore, #tpu.memory_space<semaphore_mem>>
    %dma_start3A_152 = arith.constant 0 : i32
    %dma_start3A_153 = tpu.memref_slice %arg4[%add3A_12, %dma_start3A_152] : memref<16384x128xf32, #tpu.memory_space<hbm>> -> memref<128x128xf32, #tpu.memory_space<hbm>>
    %dma_start3A_154 = arith.constant 0 : i32
    %dma_start3A_155 = arith.constant 0 : i32
    %dma_start3A_156 = tpu.memref_slice %arg6[%dma_start3A_154, %dma_start3A_155] : memref<512x128xf32, #tpu.memory_space<vmem>> -> memref<128x128xf32, #tpu.memory_space<vmem>>
    tpu.enqueue_dma source(%dma_start3A_156 : memref<128x128xf32, #tpu.memory_space<vmem>>) target(%dma_start3A_153 : memref<128x128xf32, #tpu.memory_space<hbm>>) target_semaphore(%dma_start3A_151 : memref<!tpu.dma_semaphore, #tpu.memory_space<semaphore_mem>>)
    %dma_wait3A_157 = arith.constant 1 : i32
    %dma_wait3A_158 = arith.constant 128 : i32
    %dma_wait3A_159 = arith.constant 0 : i32
    %dma_wait3A_160 = tpu.memref_slice %arg6[%dma_wait3A_158, %dma_wait3A_159] : memref<512x128xf32, #tpu.memory_space<vmem>> -> memref<128x128xf32, #tpu.memory_space<vmem>>
    %dma_wait3A_161 = arith.constant 128 : i32
    %dma_wait3A_162 = tpu.memref_slice %arg5[%dma_wait3A_161] : memref<512xi32, #tpu.memory_space<vmem>> -> memref<128xi32, #tpu.memory_space<vmem>>
    %dma_wait3A_163 = arith.constant 0 : i32
    %dma_wait3A_164 = arith.constant 0 : i32
    %dma_wait3A_165 = tpu.memref_slice %arg3[%dma_wait3A_163, %dma_wait3A_164] : memref<100000x128xf32, #tpu.memory_space<hbm>> -> memref<100000x128xf32, #tpu.memory_space<hbm>>
    %dma_wait3A_166 = tpu.memref_slice %arg8[%dma_wait3A_157] : memref<4x!tpu.dma_semaphore, #tpu.memory_space<semaphore_mem>> -> memref<1x!tpu.dma_semaphore, #tpu.memory_space<semaphore_mem>>
    %dma_wait3A_167 = tpu.memref_squeeze %dma_wait3A_166 : memref<1x!tpu.dma_semaphore, #tpu.memory_space<semaphore_mem>> -> memref<!tpu.dma_semaphore, #tpu.memory_space<semaphore_mem>>
    tpu.wait_indirect_dma semaphore(%dma_wait3A_167 : memref<!tpu.dma_semaphore, #tpu.memory_space<semaphore_mem>>) src(%dma_wait3A_165 : memref<100000x128xf32, #tpu.memory_space<hbm>>) dst(%dma_wait3A_160 : memref<128x128xf32, #tpu.memory_space<vmem>>)
    %dma_start3A_168 = arith.constant 1 : i32
    %dma_start3A_169 = arith.constant 128 : i32
    %dma_start3A_170 = arith.constant 0 : i32
    %dma_start3A_171 = tpu.memref_slice %arg6[%dma_start3A_169, %dma_start3A_170] : memref<512x128xf32, #tpu.memory_space<vmem>> -> memref<128x128xf32, #tpu.memory_space<vmem>>
    %dma_start3A_172 = arith.constant 0 : i32
    %dma_start3A_173 = tpu.memref_slice %arg4[%add3A_14, %dma_start3A_172] : memref<16384x128xf32, #tpu.memory_space<hbm>> -> memref<128x128xf32, #tpu.memory_space<hbm>>
    %dma_start3A_174 = tpu.memref_slice %arg9[%dma_start3A_168] : memref<4x!tpu.dma_semaphore, #tpu.memory_space<semaphore_mem>> -> memref<1x!tpu.dma_semaphore, #tpu.memory_space<semaphore_mem>>
    %dma_start3A_175 = tpu.memref_squeeze %dma_start3A_174 : memref<1x!tpu.dma_semaphore, #tpu.memory_space<semaphore_mem>> -> memref<!tpu.dma_semaphore, #tpu.memory_space<semaphore_mem>>
    %dma_start3A_176 = arith.constant 0 : i32
    %dma_start3A_177 = tpu.memref_slice %arg4[%add3A_14, %dma_start3A_176] : memref<16384x128xf32, #tpu.memory_space<hbm>> -> memref<128x128xf32, #tpu.memory_space<hbm>>
    %dma_start3A_178 = arith.constant 128 : i32
    %dma_start3A_179 = arith.constant 0 : i32
    %dma_start3A_180 = tpu.memref_slice %arg6[%dma_start3A_178, %dma_start3A_179] : memref<512x128xf32, #tpu.memory_space<vmem>> -> memref<128x128xf32, #tpu.memory_space<vmem>>
    tpu.enqueue_dma source(%dma_start3A_180 : memref<128x128xf32, #tpu.memory_space<vmem>>) target(%dma_start3A_177 : memref<128x128xf32, #tpu.memory_space<hbm>>) target_semaphore(%dma_start3A_175 : memref<!tpu.dma_semaphore, #tpu.memory_space<semaphore_mem>>)
    %dma_wait3A_181 = arith.constant 2 : i32
    %dma_wait3A_182 = arith.constant 256 : i32
    %dma_wait3A_183 = arith.constant 0 : i32
    %dma_wait3A_184 = tpu.memref_slice %arg6[%dma_wait3A_182, %dma_wait3A_183] : memref<512x128xf32, #tpu.memory_space<vmem>> -> memref<128x128xf32, #tpu.memory_space<vmem>>
    %dma_wait3A_185 = arith.constant 256 : i32
    %dma_wait3A_186 = tpu.memref_slice %arg5[%dma_wait3A_185] : memref<512xi32, #tpu.memory_space<vmem>> -> memref<128xi32, #tpu.memory_space<vmem>>
    %dma_wait3A_187 = arith.constant 0 : i32
    %dma_wait3A_188 = arith.constant 0 : i32
    %dma_wait3A_189 = tpu.memref_slice %arg3[%dma_wait3A_187, %dma_wait3A_188] : memref<100000x128xf32, #tpu.memory_space<hbm>> -> memref<100000x128xf32, #tpu.memory_space<hbm>>
    %dma_wait3A_190 = tpu.memref_slice %arg8[%dma_wait3A_181] : memref<4x!tpu.dma_semaphore, #tpu.memory_space<semaphore_mem>> -> memref<1x!tpu.dma_semaphore, #tpu.memory_space<semaphore_mem>>
    %dma_wait3A_191 = tpu.memref_squeeze %dma_wait3A_190 : memref<1x!tpu.dma_semaphore, #tpu.memory_space<semaphore_mem>> -> memref<!tpu.dma_semaphore, #tpu.memory_space<semaphore_mem>>
    tpu.wait_indirect_dma semaphore(%dma_wait3A_191 : memref<!tpu.dma_semaphore, #tpu.memory_space<semaphore_mem>>) src(%dma_wait3A_189 : memref<100000x128xf32, #tpu.memory_space<hbm>>) dst(%dma_wait3A_184 : memref<128x128xf32, #tpu.memory_space<vmem>>)
    %dma_start3A_192 = arith.constant 2 : i32
    %dma_start3A_193 = arith.constant 256 : i32
    %dma_start3A_194 = arith.constant 0 : i32
    %dma_start3A_195 = tpu.memref_slice %arg6[%dma_start3A_193, %dma_start3A_194] : memref<512x128xf32, #tpu.memory_space<vmem>> -> memref<128x128xf32, #tpu.memory_space<vmem>>
    %dma_start3A_196 = arith.constant 0 : i32
    %dma_start3A_197 = tpu.memref_slice %arg4[%add3A_16, %dma_start3A_196] : memref<16384x128xf32, #tpu.memory_space<hbm>> -> memref<128x128xf32, #tpu.memory_space<hbm>>
    %dma_start3A_198 = tpu.memref_slice %arg9[%dma_start3A_192] : memref<4x!tpu.dma_semaphore, #tpu.memory_space<semaphore_mem>> -> memref<1x!tpu.dma_semaphore, #tpu.memory_space<semaphore_mem>>
    %dma_start3A_199 = tpu.memref_squeeze %dma_start3A_198 : memref<1x!tpu.dma_semaphore, #tpu.memory_space<semaphore_mem>> -> memref<!tpu.dma_semaphore, #tpu.memory_space<semaphore_mem>>
    %dma_start3A_200 = arith.constant 0 : i32
    %dma_start3A_201 = tpu.memref_slice %arg4[%add3A_16, %dma_start3A_200] : memref<16384x128xf32, #tpu.memory_space<hbm>> -> memref<128x128xf32, #tpu.memory_space<hbm>>
    %dma_start3A_202 = arith.constant 256 : i32
    %dma_start3A_203 = arith.constant 0 : i32
    %dma_start3A_204 = tpu.memref_slice %arg6[%dma_start3A_202, %dma_start3A_203] : memref<512x128xf32, #tpu.memory_space<vmem>> -> memref<128x128xf32, #tpu.memory_space<vmem>>
    tpu.enqueue_dma source(%dma_start3A_204 : memref<128x128xf32, #tpu.memory_space<vmem>>) target(%dma_start3A_201 : memref<128x128xf32, #tpu.memory_space<hbm>>) target_semaphore(%dma_start3A_199 : memref<!tpu.dma_semaphore, #tpu.memory_space<semaphore_mem>>)
    %dma_wait3A_205 = arith.constant 3 : i32
    %dma_wait3A_206 = arith.constant 384 : i32
    %dma_wait3A_207 = arith.constant 0 : i32
    %dma_wait3A_208 = tpu.memref_slice %arg6[%dma_wait3A_206, %dma_wait3A_207] : memref<512x128xf32, #tpu.memory_space<vmem>> -> memref<128x128xf32, #tpu.memory_space<vmem>>
    %dma_wait3A_209 = arith.constant 384 : i32
    %dma_wait3A_210 = tpu.memref_slice %arg5[%dma_wait3A_209] : memref<512xi32, #tpu.memory_space<vmem>> -> memref<128xi32, #tpu.memory_space<vmem>>
    %dma_wait3A_211 = arith.constant 0 : i32
    %dma_wait3A_212 = arith.constant 0 : i32
    %dma_wait3A_213 = tpu.memref_slice %arg3[%dma_wait3A_211, %dma_wait3A_212] : memref<100000x128xf32, #tpu.memory_space<hbm>> -> memref<100000x128xf32, #tpu.memory_space<hbm>>
    %dma_wait3A_214 = tpu.memref_slice %arg8[%dma_wait3A_205] : memref<4x!tpu.dma_semaphore, #tpu.memory_space<semaphore_mem>> -> memref<1x!tpu.dma_semaphore, #tpu.memory_space<semaphore_mem>>
    %dma_wait3A_215 = tpu.memref_squeeze %dma_wait3A_214 : memref<1x!tpu.dma_semaphore, #tpu.memory_space<semaphore_mem>> -> memref<!tpu.dma_semaphore, #tpu.memory_space<semaphore_mem>>
    tpu.wait_indirect_dma semaphore(%dma_wait3A_215 : memref<!tpu.dma_semaphore, #tpu.memory_space<semaphore_mem>>) src(%dma_wait3A_213 : memref<100000x128xf32, #tpu.memory_space<hbm>>) dst(%dma_wait3A_208 : memref<128x128xf32, #tpu.memory_space<vmem>>)
    %dma_start3A_216 = arith.constant 3 : i32
    %dma_start3A_217 = arith.constant 384 : i32
    %dma_start3A_218 = arith.constant 0 : i32
    %dma_start3A_219 = tpu.memref_slice %arg6[%dma_start3A_217, %dma_start3A_218] : memref<512x128xf32, #tpu.memory_space<vmem>> -> memref<128x128xf32, #tpu.memory_space<vmem>>
    %dma_start3A_220 = arith.constant 0 : i32
    %dma_start3A_221 = tpu.memref_slice %arg4[%add3A_18, %dma_start3A_220] : memref<16384x128xf32, #tpu.memory_space<hbm>> -> memref<128x128xf32, #tpu.memory_space<hbm>>
    %dma_start3A_222 = tpu.memref_slice %arg9[%dma_start3A_216] : memref<4x!tpu.dma_semaphore, #tpu.memory_space<semaphore_mem>> -> memref<1x!tpu.dma_semaphore, #tpu.memory_space<semaphore_mem>>
    %dma_start3A_223 = tpu.memref_squeeze %dma_start3A_222 : memref<1x!tpu.dma_semaphore, #tpu.memory_space<semaphore_mem>> -> memref<!tpu.dma_semaphore, #tpu.memory_space<semaphore_mem>>
    %dma_start3A_224 = arith.constant 0 : i32
    %dma_start3A_225 = tpu.memref_slice %arg4[%add3A_18, %dma_start3A_224] : memref<16384x128xf32, #tpu.memory_space<hbm>> -> memref<128x128xf32, #tpu.memory_space<hbm>>
    %dma_start3A_226 = arith.constant 384 : i32
    %dma_start3A_227 = arith.constant 0 : i32
    %dma_start3A_228 = tpu.memref_slice %arg6[%dma_start3A_226, %dma_start3A_227] : memref<512x128xf32, #tpu.memory_space<vmem>> -> memref<128x128xf32, #tpu.memory_space<vmem>>
    tpu.enqueue_dma source(%dma_start3A_228 : memref<128x128xf32, #tpu.memory_space<vmem>>) target(%dma_start3A_225 : memref<128x128xf32, #tpu.memory_space<hbm>>) target_semaphore(%dma_start3A_223 : memref<!tpu.dma_semaphore, #tpu.memory_space<semaphore_mem>>)
    %dma_wait3A_229 = arith.constant 0 : i32
    %dma_wait3A_230 = arith.constant 0 : i32
    %dma_wait3A_231 = arith.constant 0 : i32
    %dma_wait3A_232 = tpu.memref_slice %arg6[%dma_wait3A_230, %dma_wait3A_231] : memref<512x128xf32, #tpu.memory_space<vmem>> -> memref<128x128xf32, #tpu.memory_space<vmem>>
    %dma_wait3A_233 = arith.constant 0 : i32
    %dma_wait3A_234 = tpu.memref_slice %arg4[%add3A_12, %dma_wait3A_233] : memref<16384x128xf32, #tpu.memory_space<hbm>> -> memref<128x128xf32, #tpu.memory_space<hbm>>
    %dma_wait3A_235 = tpu.memref_slice %arg9[%dma_wait3A_229] : memref<4x!tpu.dma_semaphore, #tpu.memory_space<semaphore_mem>> -> memref<1x!tpu.dma_semaphore, #tpu.memory_space<semaphore_mem>>
    %dma_wait3A_236 = tpu.memref_squeeze %dma_wait3A_235 : memref<1x!tpu.dma_semaphore, #tpu.memory_space<semaphore_mem>> -> memref<!tpu.dma_semaphore, #tpu.memory_space<semaphore_mem>>
    %dma_wait3A_237 = arith.constant 0 : i32
    %dma_wait3A_238 = tpu.memref_slice %arg4[%add3A_12, %dma_wait3A_237] : memref<16384x128xf32, #tpu.memory_space<hbm>> -> memref<128x128xf32, #tpu.memory_space<hbm>>
    %dma_wait3A_239 = arith.constant 0 : i32
    %dma_wait3A_240 = arith.constant 0 : i32
    %dma_wait3A_241 = tpu.memref_slice %arg6[%dma_wait3A_239, %dma_wait3A_240] : memref<512x128xf32, #tpu.memory_space<vmem>> -> memref<128x128xf32, #tpu.memory_space<vmem>>
    tpu.wait_dma2 semaphore(%dma_wait3A_236 : memref<!tpu.dma_semaphore, #tpu.memory_space<semaphore_mem>>) src(%dma_wait3A_241 : memref<128x128xf32, #tpu.memory_space<vmem>>) dst(%dma_wait3A_238 : memref<128x128xf32, #tpu.memory_space<hbm>>)
    %dma_wait3A_242 = arith.constant 1 : i32
    %dma_wait3A_243 = arith.constant 128 : i32
    %dma_wait3A_244 = arith.constant 0 : i32
    %dma_wait3A_245 = tpu.memref_slice %arg6[%dma_wait3A_243, %dma_wait3A_244] : memref<512x128xf32, #tpu.memory_space<vmem>> -> memref<128x128xf32, #tpu.memory_space<vmem>>
    %dma_wait3A_246 = arith.constant 0 : i32
    %dma_wait3A_247 = tpu.memref_slice %arg4[%add3A_14, %dma_wait3A_246] : memref<16384x128xf32, #tpu.memory_space<hbm>> -> memref<128x128xf32, #tpu.memory_space<hbm>>
    %dma_wait3A_248 = tpu.memref_slice %arg9[%dma_wait3A_242] : memref<4x!tpu.dma_semaphore, #tpu.memory_space<semaphore_mem>> -> memref<1x!tpu.dma_semaphore, #tpu.memory_space<semaphore_mem>>
    %dma_wait3A_249 = tpu.memref_squeeze %dma_wait3A_248 : memref<1x!tpu.dma_semaphore, #tpu.memory_space<semaphore_mem>> -> memref<!tpu.dma_semaphore, #tpu.memory_space<semaphore_mem>>
    %dma_wait3A_250 = arith.constant 0 : i32
    %dma_wait3A_251 = tpu.memref_slice %arg4[%add3A_14, %dma_wait3A_250] : memref<16384x128xf32, #tpu.memory_space<hbm>> -> memref<128x128xf32, #tpu.memory_space<hbm>>
    %dma_wait3A_252 = arith.constant 128 : i32
    %dma_wait3A_253 = arith.constant 0 : i32
    %dma_wait3A_254 = tpu.memref_slice %arg6[%dma_wait3A_252, %dma_wait3A_253] : memref<512x128xf32, #tpu.memory_space<vmem>> -> memref<128x128xf32, #tpu.memory_space<vmem>>
    tpu.wait_dma2 semaphore(%dma_wait3A_249 : memref<!tpu.dma_semaphore, #tpu.memory_space<semaphore_mem>>) src(%dma_wait3A_254 : memref<128x128xf32, #tpu.memory_space<vmem>>) dst(%dma_wait3A_251 : memref<128x128xf32, #tpu.memory_space<hbm>>)
    %dma_wait3A_255 = arith.constant 2 : i32
    %dma_wait3A_256 = arith.constant 256 : i32
    %dma_wait3A_257 = arith.constant 0 : i32
    %dma_wait3A_258 = tpu.memref_slice %arg6[%dma_wait3A_256, %dma_wait3A_257] : memref<512x128xf32, #tpu.memory_space<vmem>> -> memref<128x128xf32, #tpu.memory_space<vmem>>
    %dma_wait3A_259 = arith.constant 0 : i32
    %dma_wait3A_260 = tpu.memref_slice %arg4[%add3A_16, %dma_wait3A_259] : memref<16384x128xf32, #tpu.memory_space<hbm>> -> memref<128x128xf32, #tpu.memory_space<hbm>>
    %dma_wait3A_261 = tpu.memref_slice %arg9[%dma_wait3A_255] : memref<4x!tpu.dma_semaphore, #tpu.memory_space<semaphore_mem>> -> memref<1x!tpu.dma_semaphore, #tpu.memory_space<semaphore_mem>>
    %dma_wait3A_262 = tpu.memref_squeeze %dma_wait3A_261 : memref<1x!tpu.dma_semaphore, #tpu.memory_space<semaphore_mem>> -> memref<!tpu.dma_semaphore, #tpu.memory_space<semaphore_mem>>
    %dma_wait3A_263 = arith.constant 0 : i32
    %dma_wait3A_264 = tpu.memref_slice %arg4[%add3A_16, %dma_wait3A_263] : memref<16384x128xf32, #tpu.memory_space<hbm>> -> memref<128x128xf32, #tpu.memory_space<hbm>>
    %dma_wait3A_265 = arith.constant 256 : i32
    %dma_wait3A_266 = arith.constant 0 : i32
    %dma_wait3A_267 = tpu.memref_slice %arg6[%dma_wait3A_265, %dma_wait3A_266] : memref<512x128xf32, #tpu.memory_space<vmem>> -> memref<128x128xf32, #tpu.memory_space<vmem>>
    tpu.wait_dma2 semaphore(%dma_wait3A_262 : memref<!tpu.dma_semaphore, #tpu.memory_space<semaphore_mem>>) src(%dma_wait3A_267 : memref<128x128xf32, #tpu.memory_space<vmem>>) dst(%dma_wait3A_264 : memref<128x128xf32, #tpu.memory_space<hbm>>)
    %dma_wait3A_268 = arith.constant 3 : i32
    %dma_wait3A_269 = arith.constant 384 : i32
    %dma_wait3A_270 = arith.constant 0 : i32
    %dma_wait3A_271 = tpu.memref_slice %arg6[%dma_wait3A_269, %dma_wait3A_270] : memref<512x128xf32, #tpu.memory_space<vmem>> -> memref<128x128xf32, #tpu.memory_space<vmem>>
    %dma_wait3A_272 = arith.constant 0 : i32
    %dma_wait3A_273 = tpu.memref_slice %arg4[%add3A_18, %dma_wait3A_272] : memref<16384x128xf32, #tpu.memory_space<hbm>> -> memref<128x128xf32, #tpu.memory_space<hbm>>
    %dma_wait3A_274 = tpu.memref_slice %arg9[%dma_wait3A_268] : memref<4x!tpu.dma_semaphore, #tpu.memory_space<semaphore_mem>> -> memref<1x!tpu.dma_semaphore, #tpu.memory_space<semaphore_mem>>
    %dma_wait3A_275 = tpu.memref_squeeze %dma_wait3A_274 : memref<1x!tpu.dma_semaphore, #tpu.memory_space<semaphore_mem>> -> memref<!tpu.dma_semaphore, #tpu.memory_space<semaphore_mem>>
    %dma_wait3A_276 = arith.constant 0 : i32
    %dma_wait3A_277 = tpu.memref_slice %arg4[%add3A_18, %dma_wait3A_276] : memref<16384x128xf32, #tpu.memory_space<hbm>> -> memref<128x128xf32, #tpu.memory_space<hbm>>
    %dma_wait3A_278 = arith.constant 384 : i32
    %dma_wait3A_279 = arith.constant 0 : i32
    %dma_wait3A_280 = tpu.memref_slice %arg6[%dma_wait3A_278, %dma_wait3A_279] : memref<512x128xf32, #tpu.memory_space<vmem>> -> memref<128x128xf32, #tpu.memory_space<vmem>>
    tpu.wait_dma2 semaphore(%dma_wait3A_275 : memref<!tpu.dma_semaphore, #tpu.memory_space<semaphore_mem>>) src(%dma_wait3A_280 : memref<128x128xf32, #tpu.memory_space<vmem>>) dst(%dma_wait3A_277 : memref<128x128xf32, #tpu.memory_space<hbm>>)
    return
  }
}

</mosaic_0001>

<sc_bundles>
// kernel: kernel.3.cloned.1.call-start
scs
__scs_entry_jumppad:
0x0: {  	(pc) =	sbr.rel $0x88, $3  }
0x1: {  	(tag) =	ssettag $0x0;
	lr =	simm.s32 $0x1  }
0x2: {  	[smem:$0x3F9F] =	sst lr;
	_ =	strace $0xD0000000  }
0x3: {  	_ = 	snop  }
0x4: {  	_ = 	snop  }
0x5: {  	_ = 	snop  }
0x6: {  	_ = 	snop  }
0x7: {  	_ = 	snop  }
__scs_overlays_trampoline_lowered:
0x8: {  	[smem:$0x3FAE] =	sst s0  }
0x9: {  	[smem:$0x3FAF] =	sst s1  }
0xa: {  	[smem:$0x3FB0] =	sst s2  }
0xb: {  	[smem:$0x3FB1] =	sst s3  }
0xc: {  	[smem:$0x3FB2] =	sst s4  }
0xd: {  	[smem:$0x3FB3] =	sst s5  }
0xe: {  	[smem:$0x3FB4] =	sst s6  }
0xf: {  	[smem:$0x3FB5] =	sst s7  }
0x10: {  	[smem:$0x3FB6] =	sst s8  }
0x11: {  	[smem:$0x3FB7] =	sst s9;
	s0 =	simm.s32 @!p0 $0x0  }
0x12: {  	s1 =	sld [smem:$0x3F9D];
	s0 =	simm.s32 @p0 $0x1  }
0x13: {  	[smem:$0x3FB8] =	sst s0;
	s0 =	simm.s32 @!p1 $0x0  }
0x14: {  	s2 =	sld [smem:$0x3F9C];
	s0 =	simm.s32 @p1 $0x1  }
0x15: {  	[smem:$0x3FB9] =	sst s0;
	s0 =	simm.s32 @!p2 $0x0  }
0x16: {  	s3 =	sld [smem:$0x3FDB];
	s0 =	simm.s32 @p2 $0x1  }
0x17: {  	s4 =	simm.s32 $0x1BF5;
	[smem:$0x3FBB] =	sst s0  }
0x18: {  	s0 =	sld [smem:$0x3F9E];
	_ =	swait.ge [sflag:s4], $0x0  }
0x19: {  	s7 =	sld [smem:$0x3F9F]  }
0x1a: {  	s8 =	sadd.s32 $0xFFFFE003, lr  }
0x1b: {  	s9 =	sadd.s32 $0xFFFFFEF7, lr;
	s5 =	simm.s32 $0xFFFFFFFF;
	p2 =	slt.u32 s8, $0xFFFFF086  }
0x1c: {  	p1 =	slt.u32 s9, $0xF7A;
	s5 =	simm.s32 @!p2 $0x0  }
0x1d: {  	s5 =	simm.s32 @p1 $0x1;
	p0 =	seq.s32 s7, s2  }
0x1e: {  	s7 =	smul.u32 @!p0 $0xF7A, s2;
	p2 =	seq.s32 @!p0 s5, $0x0  }
0x1f: {  	s9 =	smul.u32 $0xF7A, s1;
	s8 =	simm.s32 @!p0 $0x1BF5;
	p2 =	por !p2, p0  }
0x20: {  	[sflag:s8] =	ssyncset.s32 @!p0 $0xFFFFF086;
	s6 =	sadd.s32 @!p0 s3, s7;
	s7 =	simm.s32 @!p0 $0x108  }
0x21: {  	s3 =	sadd.s32 s3, s9;
	s6 =	sadd.s32 @!p0 $0x88, s6;
	s7 =	simm.s32 @p2 $0x1082  }
0x22: {  	[simem:s7], [sflag:s8] =	dma.local @!p0 [hbm:s6], $0xF7A  }
0x23: {  	s9 =	sor.u32 $0xD0000000, s2;
	s6 =	simm.s32 $0x108;
	_ =	swait.ge @!p0 [sflag:s8], $0x0  }
0x24: {  	s3 =	sadd.s32 $0x88, s3;
	s6 =	simm.s32 @!p1 $0x1082;
	[sflag:s4] =	ssyncset.s32 $0xFFFFF086  }
0x25: {  	[simem:s6], [sflag:s4] =	dma.local [hbm:s3], $0xF7A  }
0x26: {  	[smem:$0x3F9F] =	sst s1;
	(tag) =	ssettag s2;
	_ =	strace s9  }
0x27: {  	s1 =	sld [smem:$0x3FAF]  }
0x28: {  	s2 =	sld [smem:$0x3FB0]  }
0x29: {  	s4 =	sld [smem:$0x3FB2]  }
0x2a: {  	p0 =	seq.s32 s5, $0x0;
	s5 =	sld [smem:$0x3FB3]  }
0x2b: {  	s6 =	sld [smem:$0x3FB4]  }
0x2c: {  	s7 =	sld [smem:$0x3FB5]  }
0x2d: {  	s3 =	simm.s32 $0x108;
	s8 =	sld [smem:$0x3FB6]  }
0x2e: {  	s3 =	simm.s32 @!p0 $0x1082;
	s9 =	sld [smem:$0x3FB7]  }
0x2f: {  	lr =	sadd.s32 s0, s3;
	s0 =	sld [smem:$0x3FAE]  }
0x30: {  	s3 =	sld [smem:$0x3FB1]  }
0x31: {  	[smem:$0x3FBA] =	sst s10  }
0x32: {  	s10 =	sld [smem:$0x3FB8];
	_ =	sdelay $0x3  }
0x33: {  	p0 =	seq.s32 s10, $0x1;
	s10 =	sld [smem:$0x3FBA];
	_ =	sdelay $0x3  }
0x34: {  	[smem:$0x3FBA] =	sst s10  }
0x35: {  	s10 =	sld [smem:$0x3FB9];
	_ =	sdelay $0x3  }
0x36: {  	p1 =	seq.s32 s10, $0x1;
	s10 =	sld [smem:$0x3FBA];
	_ =	sdelay $0x3  }
0x37: {  	[smem:$0x3FBA] =	sst s10  }
0x38: {  	s10 =	sld [smem:$0x3FBB]  }
0x39: {  	_ = 	snop;
	(pc) =	sbr.ind lr, $3  }
0x3a: {  	_ = 	snop  }
0x3b: {  	_ = 	snop  }
0x3c: {  	p2 =	seq.s32 s10, $0x1;
	s10 =	sld [smem:$0x3FBA]  }
0x3d: {  	_ =	shalt  }
0x3e: {  	_ =	shalt  }
0x3f: {  	_ =	shalt  }
0x40: {  	_ =	shalt  }
0x41: {  	_ =	shalt  }
0x42: {  	_ =	shalt  }
0x43: {  	_ =	shalt  }
0x44: {  	_ =	shalt  }
0x45: {  	_ =	shalt  }
0x46: {  	_ =	shalt  }
0x47: {  	_ =	shalt  }
0x48: {  	_ =	shalt  }
0x49: {  	_ =	shalt  }
0x4a: {  	_ =	shalt  }
0x4b: {  	_ =	shalt  }
0x4c: {  	_ =	shalt  }
0x4d: {  	_ =	shalt  }
0x4e: {  	_ =	shalt  }
0x4f: {  	_ =	shalt  }
0x50: {  	_ =	shalt  }
0x51: {  	_ =	shalt  }
0x52: {  	_ =	shalt  }
0x53: {  	_ =	shalt  }
0x54: {  	_ =	shalt  }
0x55: {  	_ =	shalt  }
0x56: {  	_ =	shalt  }
0x57: {  	_ =	shalt  }
0x58: {  	_ =	shalt  }
0x59: {  	_ =	shalt  }
0x5a: {  	_ =	shalt  }
0x5b: {  	_ =	shalt  }
0x5c: {  	_ =	shalt  }
0x5d: {  	_ =	shalt  }
0x5e: {  	_ =	shalt  }
0x5f: {  	_ =	shalt  }
0x60: {  	_ =	shalt  }
0x61: {  	_ =	shalt  }
0x62: {  	_ =	shalt  }
0x63: {  	_ =	shalt  }
0x64: {  	_ =	shalt  }
0x65: {  	_ =	shalt  }
0x66: {  	_ =	shalt  }
0x67: {  	_ =	shalt  }
0x68: {  	_ =	shalt  }
0x69: {  	_ =	shalt  }
0x6a: {  	_ =	shalt  }
0x6b: {  	_ =	shalt  }
0x6c: {  	_ =	shalt  }
0x6d: {  	_ =	shalt  }
0x6e: {  	_ =	shalt  }
0x6f: {  	_ =	shalt  }
0x70: {  	_ =	shalt  }
0x71: {  	_ =	shalt  }
0x72: {  	_ =	shalt  }
0x73: {  	_ =	shalt  }
0x74: {  	_ =	shalt  }
0x75: {  	_ =	shalt  }
0x76: {  	_ =	shalt  }
0x77: {  	_ =	shalt  }
0x78: {  	_ =	shalt  }
0x79: {  	_ =	shalt  }
0x7a: {  	_ =	shalt  }
0x7b: {  	_ =	shalt  }
0x7c: {  	_ =	shalt  }
0x7d: {  	_ =	shalt  }
0x7e: {  	_ =	shalt  }
0x7f: {  	_ =	shalt  }
0x80: {  	_ =	shalt  }
0x81: {  	_ =	shalt  }
0x82: {  	_ =	shalt  }
0x83: {  	_ =	shalt  }
0x84: {  	_ =	shalt  }
0x85: {  	_ =	shalt  }
0x86: {  	_ =	shalt  }
0x87: {  	_ =	shalt  }
.Lfunc_end0:
.L_simem_size_0:
called_computation_lowered:
.L_overlay_start_0:
0x88: {  	s2 =	sld [smem:$0x3FD9]  }
0x89: {  	s3 =	sld [smem:$0x3FFE];
	_ =	sdelay $0x1  }
0x8a: {  	s1 =	srdreg.scid  }
0x8b: {  	s0 =	sand.u32 $0x1, s1  }
0x8c: {  	s18 =	sshll.u32 s0, $0xA;
	s2 =	sadd.s32 s3, s2  }
0x8d: {  	s2 =	sadd.s32 s2, s18  }
0x8e: {  	[smem:$0x3FC6] =	sst s2  }
0x8f: {  	_ = 	snop  }
0x90: {  	s2 =	sld [smem:$0x3FC9]  }
0x91: {  	s19 =	sld [smem:$0x3FC8]  }
0x92: {  	s4 =	sld [smem:$0x3FD0];
	(tm) =	ssettm $0x1  }
0x93: {  	s5 =	sld [smem:$0x3FFB];
	_ =	sdelay $0x3  }
0x94: {  	_ =	strace s5  }
0x95: {  	s5 =	sld [smem:$0x3FFC];
	_ =	sdelay $0x3  }
0x96: {  	_ =	strace s5  }
0x97: {  	s5 =	sld [smem:$0x3FFD];
	_ =	sdelay $0x3  }
0x98: {  	_ =	strace s5  }
0x99: {  	_ =	strace $0x8FFFFFFF  }
0x9a: {  	s20 =	sld [smem:$0x3FDB];
	_ =	sdelay $0x1  }
0x9b: {  	s6 =	simm.s32 $_scs_section_size  }
0x9c: {  	s7 =	simm.s32 $_size__tile_overlayer_lowered;
	s8 =	simm.s32 $_tile_overlayer_lowered  }
0x9d: {  	s23 =	simm.s32 $0x1BFF;
	s22 =	sshll.u32 s8, $0x1;
	s5 =	sadd.s32 s6, s20  }
0x9e: {  	s9 =	simm.s32 $0x0;
	s21 =	sshll.u32 s7, $0x1;
	s7 =	sadd.s32 s22, s5  }
0x9f: {  	[timem:s9], [sflag:s23] =	dma.local [hbm:s7], s21  }
0xa0: {  	_ =	swait.ge [sflag:s23], s21  }
0xa1: {  	s6 =	ssub.s32 $0x0, s21;
	[sflag:s23] =	ssyncset.done $0x0  }
0xa2: {  	[sflag:s23] =	ssyncadd.s32 s6;
	_ =	sdelay $0x1  }
0xa3: {  	s24 =	simm.s32 $0x1B8B  }
0xa4: {  	_ =	swait.ge [sflag:s24], $0x1  }
0xa5: {  	[sflag:s24] =	ssyncset.done $0x0  }
0xa6: {  	s25 =	simm.s32 $0x1B8E;
	[sflag:s24] =	ssyncadd.s32 $0xFFFFFFFF  }
0xa7: {  	s26 =	simm.s32 $execute0_lowered;
	[smem:$0x3FD2] =	sst s25  }
0xa8: {  	s6 =	sshll.u32 s26, $0x1;
	_ =	strace $0x80000046;
	[dreg:$0x1] =	wrdreg $0xFFFFFFFF  }
0xa9: {  	s28 =	simm.s32 $_size_execute0_lowered;
	s5 =	sadd.s32 s5, s6;
	[dreg:$0x0] =	wrdreg $0x0  }
0xaa: {  	s6 =	sshll.u32 s28, $0x1;
	[dreg:$0x2] =	wrdreg s5  }
0xab: {  	[dreg:$0x3] =	wrdreg s6  }
0xac: {  	[dreg:$0x4] =	wrdreg $0xC0  }
0xad: {  	_ =	task [dreg:s9], $0x5FFFF  }
0xae: {  	[dreg:$0x1] =	wrdreg $0xFFFFFFFF  }
0xaf: {  	[dreg:$0x0] =	wrdreg $0x60  }
0xb0: {  	[dreg:$0x2] =	wrdreg s2  }
0xb1: {  	[dreg:$0x3] =	wrdreg s19  }
0xb2: {  	[dreg:$0x4] =	wrdreg s4  }
0xb3: {  	[dreg:$0x5] =	wrdreg $0x9  }
0xb4: {  	_ =	task.clear_ibuf [dreg:s9], $0x6FFFF;
	_ =	strace $0x90000046  }
0xb5: {  	s29 =	simm.s32 $0x9;
	_ =	strace $0x80000048  }
0xb6: {  	_ =	swait.ge [sflag:s29], $0x1  }
0xb7: {  	[sflag:s29] =	ssyncadd.s32 $0xFFFFFFFF  }
0xb8: {  	_ =	strace $0x90000048  }
0xb9: {  	_ =	sfence  }
0xba: {  	s30 =	sld [smem:$0x0];
	_ =	sdelay $0x2  }
0xbb: {  	s31 =	sshll.u32 s1, $0xD;
	s1 =	sshrl.u32 s1, $0x2  }
0xbc: {  	s3 =	sand.u32 $0x4000, s31;
	s1 =	sadd.s32 s1, s30  }
0xbd: {  	s0 =	sor.u32 s3, s0;
	s1 =	sshll.u32 s1, $0x11  }
0xbe: {  	s0 =	sor.u32 s1, s0  }
0xbf: {  	s0 =	sadd.s32 $0x8F2B, s0  }
0xc0: {  	[sflag:s0] =	ssyncadd.remote.s32 $0x1  }
0xc1: {  	_ =	sfence.sel $0xFFFF  }
0xc2: {  	[dreg:$0x0] =	wrdreg $0xFFFFFFFF;
	(pc) =	sbr.abs _section_cstart, $3  }
0xc3: {  	[dreg:$0x1] =	wrdreg $0xFFFFFFFF  }
0xc4: {  	_ =	task.clear_ibuf [dreg:s9], $0x2FFFF;
	_ =	strace $0x9FFFFFFF  }
0xc5: {  	(tm) =	ssettm $0x7FFFFFFF  }
tec
execute0_lowered:
.L_overlay_start_1:
0x0: {  	(tag) =	ssettag $0x1  }
0x1: {  	s1 =	srdreg.scid  }
0x2: {  	s0 =	stileid.u32;
	s29 =	sand.u32 $0x1, s1  }
0x3: {  	s8 =	rddreg [dreg:$0x0];
	s4 =	sshll.u32 s0, $0xA;
	s5 =	sshll.u32 s29, $0x9  }
0x4: {  	s2 =	rddreg [dreg:$0x1];
	s3 =	simm.s32 $0x0;
	s19 =	sor.u32 s5, s4  }
0x5: {  	[smem:$0x7FF] =	sst s3;
	s4 =	sshrl.u32 s19, $0x3  }
0x6: {  	s25 =	rddreg [dreg:$0x2];
	_ =	strace $0x80000047;
	s4 =	sadd.s32 s8, s4  }
0x7: {  	s5 =	simm.s32 $0x80;
	s21 =	sor.u32 $0x80, s19;
	[dreg:$0x4] =	wrdreg s4  }
0x8: {  	s23 =	sor.u32 $0x100, s19;
	s24 =	sshrl.u32 s21, $0x3;
	s4 =	rddreg [dreg:$0x4]  }
0x9: {  	[tilespmem:s3], [sflag:$0x1] =	stream.linear.gather [hbm4b:s4+s3], $0x80, $0x38;
	[tilespmem:$0x10200] =	vst v63  }
0xa: {  	s26 =	sor.u32 $0x180, s19;
	s6 =	sshrl.u32 s23, $0x3;
	s4 =	sadd.s32 s8, s24  }
0xb: {  	[tilespmem:s5], [sflag:$0x2] =	stream.linear.gather [hbm4b:s4+s3], $0x80, $0x38;
	[tilespmem:$0x10200] =	vst v63  }
0xc: {  	s7 =	simm.s32 $0x100;
	s9 =	sshrl.u32 s26, $0x3;
	s6 =	sadd.s32 s8, s6  }
0xd: {  	[tilespmem:s7], [sflag:$0x3] =	stream.linear.gather [hbm4b:s6+s3], $0x80, $0x38;
	[tilespmem:$0x10200] =	vst v63  }
0xe: {  	s10 =	simm.s32 $0x1;
	s8 =	sadd.s32 s8, s9;
	s9 =	simm.s32 $0x180  }
0xf: {  	[tilespmem:s9], [sflag:$0x4] =	stream.linear.gather [hbm4b:s8+s3], $0x80, $0x38;
	[tilespmem:$0x10200] =	vst v63  }
0x10: {  	_ =	swait.ge [sflag:s10], $0x80  }
0x11: {  	[sflag:s10] =	ssyncset.done $0x0  }
0x12: {  	s11 =	simm.s32 $0x200;
	s12 =	simm.s32 $0x2;
	[sflag:s10] =	ssyncadd.s32 $0xFFFFFF80  }
0x13: {  	[tilespmem:s11], [sflag:$0x5] =	stream.indirect.gather [hbm4b:s2+s5], $0x80, s3, s5, $0xb8;
	[tilespmem:$0x10200] =	vst v63  }
0x14: {  	_ =	swait.ge [sflag:s12], $0x80  }
0x15: {  	[sflag:s12] =	ssyncset.done $0x0  }
0x16: {  	s13 =	simm.s32 $0x4200;
	s14 =	simm.s32 $0x3;
	[sflag:s12] =	ssyncadd.s32 $0xFFFFFF80  }
0x17: {  	[tilespmem:s13], [sflag:$0x6] =	stream.indirect.gather [hbm4b:s2+s5], $0x80, s5, s5, $0xb8;
	[tilespmem:$0x10200] =	vst v63  }
0x18: {  	_ =	swait.ge [sflag:s14], $0x80  }
0x19: {  	[sflag:s14] =	ssyncset.done $0x0  }
0x1a: {  	s15 =	simm.s32 $0x8200;
	s16 =	simm.s32 $0x4;
	[sflag:s14] =	ssyncadd.s32 $0xFFFFFF80  }
0x1b: {  	[tilespmem:s15], [sflag:$0x7] =	stream.indirect.gather [hbm4b:s2+s5], $0x80, s7, s5, $0xb8;
	[tilespmem:$0x10200] =	vst v63  }
0x1c: {  	_ =	swait.ge [sflag:s16], $0x80  }
0x1d: {  	[sflag:s16] =	ssyncset.done $0x0  }
0x1e: {  	s17 =	simm.s32 $0xC200;
	s18 =	simm.s32 $0x5;
	[sflag:s16] =	ssyncadd.s32 $0xFFFFFF80  }
0x1f: {  	[tilespmem:s17], [sflag:$0x8] =	stream.indirect.gather [hbm4b:s2+s5], $0x80, s9, s5, $0xb8;
	[tilespmem:$0x10200] =	vst v63  }
0x20: {  	_ =	swait.ge [sflag:s18], $0x4000  }
0x21: {  	s19 =	sshll.u32 s19, $0x4;
	[sflag:s18] =	ssyncset.done $0x0  }
0x22: {  	s20 =	simm.s32 $0x6;
	s19 =	sadd.s32 s25, s19;
	[sflag:s18] =	ssyncadd.s32 $0xFFFFC000  }
0x23: {  	[hbm4b:s19+s3] =	stream.linear.scatter [tilespmem:s11], [sflag:$0x9], $0x4000, $0x38;
	[tilespmem:$0x10200] =	vst v63  }
0x24: {  	_ =	swait.ge [sflag:s20], $0x4000  }
0x25: {  	s21 =	sshll.u32 s21, $0x4;
	[sflag:s20] =	ssyncset.done $0x0  }
0x26: {  	s22 =	simm.s32 $0x7;
	s21 =	sadd.s32 s25, s21;
	[sflag:s20] =	ssyncadd.s32 $0xFFFFC000  }
0x27: {  	[hbm4b:s21+s3] =	stream.linear.scatter [tilespmem:s13], [sflag:$0xA], $0x4000, $0x38;
	[tilespmem:$0x10200] =	vst v63  }
0x28: {  	_ =	swait.ge [sflag:s22], $0x4000  }
0x29: {  	s23 =	sshll.u32 s23, $0x4;
	[sflag:s22] =	ssyncset.done $0x0  }
0x2a: {  	s23 =	sadd.s32 s25, s23;
	s24 =	simm.s32 $0x8;
	[sflag:s22] =	ssyncadd.s32 $0xFFFFC000  }
0x2b: {  	[hbm4b:s23+s3] =	stream.linear.scatter [tilespmem:s15], [sflag:$0xB], $0x4000, $0x38;
	[tilespmem:$0x10200] =	vst v63  }
0x2c: {  	_ =	swait.ge [sflag:s24], $0x4000  }
0x2d: {  	s26 =	sshll.u32 s26, $0x4;
	[sflag:s24] =	ssyncset.done $0x0  }
0x2e: {  	s25 =	sadd.s32 s25, s26;
	s26 =	simm.s32 $0x9;
	[sflag:s24] =	ssyncadd.s32 $0xFFFFC000  }
0x2f: {  	[hbm4b:s25+s3] =	stream.linear.scatter [tilespmem:s17], [sflag:$0xC], $0x4000, $0x38;
	[tilespmem:$0x10200] =	vst v63  }
0x30: {  	s30 =	ssub.s32 $0x2, s29;
	_ =	swait.ge [sflag:s26], $0x4000  }
0x31: {  	s31 =	sshrl.u32 s30, $0x1;
	[sflag:s26] =	ssyncset.done $0x0  }
0x32: {  	s28 =	simm.s32 $0xA;
	s30 =	ssub.s32 s30, s31;
	[sflag:s26] =	ssyncadd.s32 $0xFFFFC000  }
0x33: {  	s31 =	smax.u32 s30, $0x1;
	_ =	swait.ge [sflag:s28], $0x4000  }
0x34: {  	p0 =	sne.s32 s31, $0x1;
	[sflag:s28] =	ssyncset.done $0x0  }
.Ltmp0:
0x35: {  	s29 =	simm.s32 $0xB;
	[sflag:s28] =	ssyncadd.s32 $0xFFFFC000;
	(pc) =	sbr.rel @!p0 .LBB2_2-.Ltmp0, $4  }
0x36: {  	_ =	swait.ge [sflag:s29], $0x4000  }
0x37: {  	[sflag:s29] =	ssyncset.done $0x0  }
0x38: {  	s30 =	simm.s32 $0xC;
	[sflag:s29] =	ssyncadd.s32 $0xFFFFC000  }
0x39: {  	s31 =	sadd.s32 $0xFFFFFFFF, s31;
	_ =	swait.ge [sflag:s30], $0x4000  }
.LBB2_1:
0x3a: {  	[sflag:s30] =	ssyncset.done $0x0  }
0x3b: {  	s1 =	rddreg [dreg:$0x4];
	[sflag:s30] =	ssyncadd.s32 $0xFFFFC000  }
0x3c: {  	[tilespmem:s3], [sflag:$0x1] =	stream.linear.gather [hbm4b:s1+s3], $0x80, $0x38;
	[tilespmem:$0x10200] =	vst v63  }
0x3d: {  	_ = 	snop  }
0x3e: {  	[tilespmem:s5], [sflag:$0x2] =	stream.linear.gather [hbm4b:s4+s3], $0x80, $0x38;
	[tilespmem:$0x10200] =	vst v63  }
0x3f: {  	_ = 	snop  }
0x40: {  	[tilespmem:s7], [sflag:$0x3] =	stream.linear.gather [hbm4b:s6+s3], $0x80, $0x38;
	[tilespmem:$0x10200] =	vst v63  }
0x41: {  	_ = 	snop  }
0x42: {  	[tilespmem:s9], [sflag:$0x4] =	stream.linear.gather [hbm4b:s8+s3], $0x80, $0x38;
	[tilespmem:$0x10200] =	vst v63  }
0x43: {  	_ =	swait.ge [sflag:s10], $0x80  }
0x44: {  	[sflag:s10] =	ssyncset.done $0x0  }
0x45: {  	[sflag:s10] =	ssyncadd.s32 $0xFFFFFF80  }
0x46: {  	[tilespmem:s11], [sflag:$0x5] =	stream.indirect.gather [hbm4b:s2+s5], $0x80, s3, s5, $0xb8;
	[tilespmem:$0x10200] =	vst v63  }
0x47: {  	_ =	swait.ge [sflag:s12], $0x80  }
0x48: {  	[sflag:s12] =	ssyncset.done $0x0  }
0x49: {  	[sflag:s12] =	ssyncadd.s32 $0xFFFFFF80  }
0x4a: {  	[tilespmem:s13], [sflag:$0x6] =	stream.indirect.gather [hbm4b:s2+s5], $0x80, s5, s5, $0xb8;
	[tilespmem:$0x10200] =	vst v63  }
0x4b: {  	_ =	swait.ge [sflag:s14], $0x80  }
0x4c: {  	[sflag:s14] =	ssyncset.done $0x0  }
0x4d: {  	[sflag:s14] =	ssyncadd.s32 $0xFFFFFF80  }
0x4e: {  	[tilespmem:s15], [sflag:$0x7] =	stream.indirect.gather [hbm4b:s2+s5], $0x80, s7, s5, $0xb8;
	[tilespmem:$0x10200] =	vst v63  }
0x4f: {  	_ =	swait.ge [sflag:s16], $0x80  }
0x50: {  	[sflag:s16] =	ssyncset.done $0x0  }
0x51: {  	[sflag:s16] =	ssyncadd.s32 $0xFFFFFF80  }
0x52: {  	[tilespmem:s17], [sflag:$0x8] =	stream.indirect.gather [hbm4b:s2+s5], $0x80, s9, s5, $0xb8;
	[tilespmem:$0x10200] =	vst v63  }
0x53: {  	_ =	swait.ge [sflag:s18], $0x4000  }
0x54: {  	[sflag:s18] =	ssyncset.done $0x0  }
0x55: {  	[sflag:s18] =	ssyncadd.s32 $0xFFFFC000  }
0x56: {  	[hbm4b:s19+s3] =	stream.linear.scatter [tilespmem:s11], [sflag:$0x9], $0x4000, $0x38;
	[tilespmem:$0x10200] =	vst v63  }
0x57: {  	_ =	swait.ge [sflag:s20], $0x4000  }
0x58: {  	[sflag:s20] =	ssyncset.done $0x0  }
0x59: {  	[sflag:s20] =	ssyncadd.s32 $0xFFFFC000  }
0x5a: {  	[hbm4b:s21+s3] =	stream.linear.scatter [tilespmem:s13], [sflag:$0xA], $0x4000, $0x38;
	[tilespmem:$0x10200] =	vst v63  }
0x5b: {  	_ =	swait.ge [sflag:s22], $0x4000  }
0x5c: {  	[sflag:s22] =	ssyncset.done $0x0  }
0x5d: {  	[sflag:s22] =	ssyncadd.s32 $0xFFFFC000  }
0x5e: {  	[hbm4b:s23+s3] =	stream.linear.scatter [tilespmem:s15], [sflag:$0xB], $0x4000, $0x38;
	[tilespmem:$0x10200] =	vst v63  }
0x5f: {  	_ =	swait.ge [sflag:s24], $0x4000  }
0x60: {  	[sflag:s24] =	ssyncset.done $0x0  }
0x61: {  	[sflag:s24] =	ssyncadd.s32 $0xFFFFC000  }
0x62: {  	[hbm4b:s25+s3] =	stream.linear.scatter [tilespmem:s17], [sflag:$0xC], $0x4000, $0x38;
	[tilespmem:$0x10200] =	vst v63  }
0x63: {  	_ =	swait.ge [sflag:s26], $0x4000  }
0x64: {  	[sflag:s26] =	ssyncset.done $0x0  }
0x65: {  	[sflag:s26] =	ssyncadd.s32 $0xFFFFC000  }
0x66: {  	_ =	swait.ge [sflag:s28], $0x4000  }
0x67: {  	p0 =	sne.s32 s31, $0x1;
	[sflag:s28] =	ssyncset.done $0x0  }
.Ltmp1:
0x68: {  	[sflag:s28] =	ssyncadd.s32 $0xFFFFC000;
	(pc) =	sbr.rel @p0 .LBB2_1-.Ltmp1, $4  }
0x69: {  	_ =	swait.ge [sflag:s29], $0x4000  }
0x6a: {  	[sflag:s29] =	ssyncset.done $0x0  }
0x6b: {  	[sflag:s29] =	ssyncadd.s32 $0xFFFFC000  }
0x6c: {  	s31 =	sadd.s32 $0xFFFFFFFF, s31;
	_ =	swait.ge [sflag:s30], $0x4000  }
.LBB2_2:
0x6d: {  	[sflag:s30] =	ssyncset.done $0x0  }
0x6e: {  	[sflag:s30] =	ssyncadd.s32 $0xFFFFC000  }
0x6f: {  	_ =	sfence.sel $0x180000  }
0x70: {  	[bflag:$0x0] =	sbarrier.arrive $0xFFFF  }
0x71: {  	_ =	strace $0x90000047  }
0x72: {  	[bflag:$0x2] =	sbarrier.arrive $0xFFFF  }
0x73: {  	p0 =	sne.s32 s0, $0x0;
	s0 =	rddreg [dreg:$0x3]  }
0x74: {  	s0 =	sadd.s32 @!p0 $0x100000, s0  }
0x75: {  	[sflag:s0] =	ssyncadd.tile.s32 @!p0 $0x1;
	_ =	shalt  }
.Lfunc_end2:
_tile_overlayer_lowered:
.L_overlay_start_2:
0x76: {  	(tag) =	ssettag $0x2  }
0x77: {  	s0 =	rddreg [dreg:$0x0];
	s2 =	stileid.u32  }
0x78: {  	s1 =	rddreg [dreg:$0x1];
	p0 =	sne.s32 s2, $0x0  }
0x79: {  	s3 =	rddreg [dreg:$0x2];
	[bflag:$0x3] =	sbarrier.arrive $0xFFFF;
	s2 =	simm.s32 @!p0 $0x1C0D  }
0x7a: {  	[timem:s3], [sflag:s2] =	dma.local @!p0 [hbm:s0], s1  }
0x7b: {  	s0 =	simm.s32 @!p0 $0xD  }
0x7c: {  	_ =	swait.ge @!p0 [sflag:s0], s1  }
0x7d: {  	s1 =	ssub.s32 @!p0 $0x0, s1;
	[sflag:s0] =	ssyncset.done @!p0 $0x0  }
0x7e: {  	[sflag:s0] =	ssyncadd.s32 @!p0 s1  }
0x7f: {  	[bflag:$0x3] =	sbarrier.arrive $0xFFFF  }
0x80: {  	_ =	shalt  }

</sc_bundles>
